<compile_context>
chip_gen: v7x
topology: tpu7x:2x2x1
jax: 0.10.2.dev20260603
libtpu: 0.0.44.dev20260713+nightly
codegen_flags: <defaults>
</compile_context>

<pallas_src>
import functools

import jax
import jax.numpy as jnp
from jax import lax
from jax.experimental import pallas as pl
from jax.experimental.pallas import tpu as pltpu
from jax.experimental.pallas import tpu_sc as plsc

N_TOK = 16384
DIM = 64
MEM = 8192
HID = 2 * DIM

BT = 1024
NB = N_TOK // BT

NC = 2
NS = 16
NW = NC * NS
B_PER_W = N_TOK // NW


def _think_argmin_body(emb, mu, wu, bu, wd, bd, vg, cb, x_out, idx_out,
                       cba_ref):
    @pl.when(pl.program_id(0) == 0)
    def _():
        cbv = cb[...].astype(jnp.bfloat16)
        cb2 = jnp.sum(cbv.astype(jnp.float32) * cbv.astype(jnp.float32),
                      axis=1, keepdims=True)
        cba_ref[...] = jnp.concatenate(
            [cbv * jnp.bfloat16(-2.0), cb2.astype(jnp.bfloat16),
             jnp.zeros((MEM, DIM - 1), jnp.bfloat16)], axis=1)

    x = emb[...] + mu[...]
    h = lax.dot_general(x, wu[...], (((1,), (1,)), ((), ())),
                        preferred_element_type=jnp.float32)
    h = jax.nn.silu(h + bu[...])
    y = lax.dot_general(h, wd[...], (((1,), (1,)), ((), ())),
                        preferred_element_type=jnp.float32)
    y = y + bd[...]
    xv = x + y * jnp.tanh(vg[0, 0])
    xva = jnp.concatenate(
        [xv.astype(jnp.bfloat16), jnp.ones((BT, 1), jnp.bfloat16),
         jnp.zeros((BT, DIM - 1), jnp.bfloat16)], axis=1)
    scores = lax.dot_general(xva, cba_ref[...], (((1,), (1,)), ((), ())),
                             preferred_element_type=jnp.float32)
    idx_out[0, 0, :] = jnp.argmin(scores, axis=1).astype(jnp.int32)
    x_out[...] = xv


def _think_argmin(input_emb, state_mu, W_up, b_up, W_down, b_down, verb_gate,
                  memory_book):
    return pl.pallas_call(
        _think_argmin_body,
        grid=(NB,),
        in_specs=[
            pl.BlockSpec((BT, DIM), lambda i: (i, 0)),
            pl.BlockSpec((1, DIM), lambda i: (0, 0)),
            pl.BlockSpec((HID, DIM), lambda i: (0, 0)),
            pl.BlockSpec((1, HID), lambda i: (0, 0)),
            pl.BlockSpec((DIM, HID), lambda i: (0, 0)),
            pl.BlockSpec((1, DIM), lambda i: (0, 0)),
            pl.BlockSpec((1, 1), lambda i: (0, 0)),
            pl.BlockSpec((MEM, DIM), lambda i: (0, 0)),
        ],
        out_specs=[
            pl.BlockSpec((BT, DIM), lambda i: (i, 0)),
            pl.BlockSpec((1, 1, BT), lambda i: (i, 0, 0)),
        ],
        out_shape=[
            jax.ShapeDtypeStruct((N_TOK, DIM), jnp.float32),
            jax.ShapeDtypeStruct((NB, 1, BT), jnp.int32),
        ],
        scratch_shapes=[pltpu.VMEM((MEM, 2 * DIM), jnp.bfloat16)],
    )(input_emb, state_mu, W_up, b_up.reshape(1, HID), W_down,
      b_down.reshape(1, DIM), verb_gate.reshape(1, 1), memory_book)


def _sc_gather(memory_book, idx):
    mesh = plsc.VectorSubcoreMesh(core_axis_name="c", subcore_axis_name="s",
                                  num_cores=NC)

    @functools.partial(
        pl.kernel, mesh=mesh,
        compiler_params=pltpu.CompilerParams(use_tc_tiling_on_sc=False),
        out_type=jax.ShapeDtypeStruct((N_TOK, DIM), jnp.float32),
        scratch_types=[
            pltpu.VMEM((B_PER_W,), jnp.int32),
            pltpu.VMEM((B_PER_W, DIM), jnp.float32),
            pltpu.SemaphoreType.DMA,
        ],
    )
    def gather_k(table_hbm, idx_hbm, out_hbm, idx_v, rows_v, sem):
        wid = lax.axis_index("s") * NC + lax.axis_index("c")
        base = wid * B_PER_W
        pltpu.sync_copy(idx_hbm.at[pl.ds(base, B_PER_W)], idx_v)
        pltpu.async_copy(table_hbm.at[idx_v], rows_v, sem).wait()
        pltpu.sync_copy(rows_v, out_hbm.at[pl.ds(base, B_PER_W)])

    return gather_k(memory_book, idx)


def _finish_body(x_ref, mem_ref, out_ref):
    v = x_ref[...] + mem_ref[...] * 0.05
    v = jnp.nan_to_num(v, nan=0.0, posinf=1.0, neginf=-1.0)
    ns = jnp.sum(v * v, axis=1, keepdims=True)
    scale = jnp.where(ns > 100.0, 10.0 * lax.rsqrt(ns), 1.0)
    out_ref[...] = v * scale


def _finish(x, mem):
    blk = 4096
    return pl.pallas_call(
        _finish_body,
        grid=(N_TOK // blk,),
        in_specs=[
            pl.BlockSpec((blk, DIM), lambda i: (i, 0)),
            pl.BlockSpec((blk, DIM), lambda i: (i, 0)),
        ],
        out_specs=pl.BlockSpec((blk, DIM), lambda i: (i, 0)),
        out_shape=jax.ShapeDtypeStruct((N_TOK, DIM), jnp.float32),
    )(x, mem)


def kernel(input_emb, state_mu, W_up, b_up, W_down, b_down, verb_gate,
           memory_book):
    x, idx = _think_argmin(input_emb, state_mu, W_up, b_up, W_down, b_down,
                           verb_gate, memory_book)
    mem = _sc_gather(memory_book, idx.reshape(N_TOK))
    return _finish(x, mem)

# --- scband reference (transcript-rebuilt; emitter-appended) ---
"""Pipeline reference for scband-granular-agent-21311627723135 (READ-ONLY COPY).

The authoritative reference and input builder live on the scoring server;
editing this copy changes nothing except your own understanding.
"""

import jax, jax.numpy as jnp
import numpy as np

N_TOK = 16384
DIM = 64
MEM = 8192


def setup_inputs(seed: int = 0) -> dict:
    key = jax.random.key(seed)
    ks = jax.random.split(key, 6)
    input_emb = jax.random.normal(ks[0], (N_TOK, DIM), dtype=jnp.float32)
    state_mu = jax.random.normal(ks[1], (1, DIM), dtype=jnp.float32) * 0.02
    # torch Linear weights: W shape [out, in]
    W_up = jax.random.normal(ks[2], (2 * DIM, DIM), dtype=jnp.float32) * (1.0 / np.sqrt(DIM))
    b_up = jnp.zeros((2 * DIM,), dtype=jnp.float32)
    W_down = jax.random.normal(ks[3], (DIM, 2 * DIM), dtype=jnp.float32) * (1.0 / np.sqrt(2 * DIM))
    b_down = jnp.zeros((DIM,), dtype=jnp.float32)
    verb_gate = jnp.zeros((1,), dtype=jnp.float32)
    memory_book = jax.random.normal(ks[4], (MEM, DIM), dtype=jnp.float32) * 0.02
    return {
        "input_emb": input_emb,
        "state_mu": state_mu,
        "W_up": W_up,
        "b_up": b_up,
        "W_down": W_down,
        "b_down": b_down,
        "verb_gate": verb_gate,
        "memory_book": memory_book,
    }


def reference(input_emb, state_mu, W_up, b_up, W_down, b_down, verb_gate, memory_book):
    # think(input_emb, neighbors=None)
    context = input_emb
    x = context + state_mu
    residual = x
    x = jax.nn.silu(x @ W_up.T + b_up)
    x = x @ W_down.T + b_down
    x = residual + x * jnp.tanh(verb_gate)
    # torch.no_grad(): cdist + argmin (non-differentiable index selection)
    xs = jax.lax.stop_gradient(x)
    cb = jax.lax.stop_gradient(memory_book)
    d2 = jnp.sum(xs * xs, axis=1, keepdims=True) - 2.0 * (xs @ cb.T) + jnp.sum(cb * cb, axis=1)
    indices = jnp.argmin(d2, axis=-1)
    memory_vec = jnp.take(memory_book, indices, axis=0)
    x = x + memory_vec * 0.05
    x = jnp.nan_to_num(x, nan=0.0, posinf=1.0, neginf=-1.0)
    tau = 10.0
    norm = jnp.linalg.norm(x, axis=-1, keepdims=True)
    x = jnp.where(norm > tau, x * (tau / jnp.maximum(norm, 1e-06)), x)
    return x

if __name__ == "__main__":
    import jax
    _d = setup_inputs()
    print(jax.jit(kernel)(*tuple(_d.values())))

</pallas_src>

<mosaic_0001>
#map = affine_map<(d0, d1) -> (0, 0)>
#map1 = affine_map<(d0, d1) -> (0)>
module attributes {stable_mosaic.version = 14 : i64} {
  func.func @gather_k(%arg0: i32, %arg1: i32, %arg2: memref<8192x64xf32, #tpu.memory_space<hbm>>, %arg3: memref<16384xi32, #tpu.memory_space<hbm>>, %arg4: memref<16384x64xf32, #tpu.memory_space<hbm>>, %arg5: memref<512xi32, #tpu.memory_space<vmem>>, %arg6: memref<512x64xf32, #tpu.memory_space<vmem>>, %arg7: memref<!tpu.dma_semaphore, #tpu.memory_space<semaphore_mem>>) attributes {dimension_semantics = [#tpu.dimension_semantics<core_parallel>, #tpu.dimension_semantics<subcore_parallel>], iteration_bounds = array<i64: 2, 16>, scalar_prefetch = 0 : i64, scratch_operands = 3 : i64, tpu.core_type = #tpu.core_type<sc_vector_subcore>, window_params = [{transform_indices = #map}, {transform_indices = #map1}, {transform_indices = #map}]} {
    %mul3A = arith.constant 2 : i32
    %mul3A_0 = arith.muli %arg1, %mul3A : i32
    %add3A = arith.addi %mul3A_0, %arg0 : i32
    %mul3A_1 = arith.constant 512 : i32
    %mul3A_2 = arith.muli %add3A, %mul3A_1 : i32
    "tpu.region"() ({
      %run_scoped3A = tpu.sem_alloc : memref<!tpu.dma_semaphore, #tpu.memory_space<semaphore_mem>>
      %dma_start3A_7 = tpu.memref_slice %arg3[%mul3A_2] : memref<16384xi32, #tpu.memory_space<hbm>> -> memref<512xi32, #tpu.memory_space<hbm>>
      %dma_start3A_8 = tpu.memref_slice %arg3[%mul3A_2] : memref<16384xi32, #tpu.memory_space<hbm>> -> memref<512xi32, #tpu.memory_space<hbm>>
      tpu.enqueue_dma source(%dma_start3A_8 : memref<512xi32, #tpu.memory_space<hbm>>) target(%arg5 : memref<512xi32, #tpu.memory_space<vmem>>) target_semaphore(%run_scoped3A : memref<!tpu.dma_semaphore, #tpu.memory_space<semaphore_mem>>)
      %dma_wait3A_9 = tpu.memref_slice %arg3[%mul3A_2] : memref<16384xi32, #tpu.memory_space<hbm>> -> memref<512xi32, #tpu.memory_space<hbm>>
      %dma_wait3A_10 = tpu.memref_slice %arg3[%mul3A_2] : memref<16384xi32, #tpu.memory_space<hbm>> -> memref<512xi32, #tpu.memory_space<hbm>>
      tpu.wait_dma2 semaphore(%run_scoped3A : memref<!tpu.dma_semaphore, #tpu.memory_space<semaphore_mem>>) src(%dma_wait3A_10 : memref<512xi32, #tpu.memory_space<hbm>>) dst(%arg5 : memref<512xi32, #tpu.memory_space<vmem>>)
      tpu.yield
    }) : () -> ()
    %dma_start3A = arith.constant 0 : i32
    %dma_start3A_3 = arith.constant 0 : i32
    %dma_start3A_4 = tpu.memref_slice %arg2[%dma_start3A, %dma_start3A_3] : memref<8192x64xf32, #tpu.memory_space<hbm>> -> memref<8192x64xf32, #tpu.memory_space<hbm>>
    tpu.enqueue_indirect_dma source(%dma_start3A_4 : memref<8192x64xf32, #tpu.memory_space<hbm>>) target(%arg6 : memref<512x64xf32, #tpu.memory_space<vmem>>) offsets(%arg5 : memref<512xi32, #tpu.memory_space<vmem>>) semaphore(%arg7 : memref<!tpu.dma_semaphore, #tpu.memory_space<semaphore_mem>>)
    %dma_wait3A = arith.constant 0 : i32
    %dma_wait3A_5 = arith.constant 0 : i32
    %dma_wait3A_6 = tpu.memref_slice %arg2[%dma_wait3A, %dma_wait3A_5] : memref<8192x64xf32, #tpu.memory_space<hbm>> -> memref<8192x64xf32, #tpu.memory_space<hbm>>
    tpu.wait_indirect_dma semaphore(%arg7 : memref<!tpu.dma_semaphore, #tpu.memory_space<semaphore_mem>>) src(%dma_wait3A_6 : memref<8192x64xf32, #tpu.memory_space<hbm>>) dst(%arg6 : memref<512x64xf32, #tpu.memory_space<vmem>>)
    "tpu.region"() ({
      %run_scoped3A = tpu.sem_alloc : memref<!tpu.dma_semaphore, #tpu.memory_space<semaphore_mem>>
      %dma_start3A_7 = arith.constant 0 : i32
      %dma_start3A_8 = tpu.memref_slice %arg4[%mul3A_2, %dma_start3A_7] : memref<16384x64xf32, #tpu.memory_space<hbm>> -> memref<512x64xf32, #tpu.memory_space<hbm>>
      %dma_start3A_9 = arith.constant 0 : i32
      %dma_start3A_10 = tpu.memref_slice %arg4[%mul3A_2, %dma_start3A_9] : memref<16384x64xf32, #tpu.memory_space<hbm>> -> memref<512x64xf32, #tpu.memory_space<hbm>>
      tpu.enqueue_dma source(%arg6 : memref<512x64xf32, #tpu.memory_space<vmem>>) target(%dma_start3A_10 : memref<512x64xf32, #tpu.memory_space<hbm>>) target_semaphore(%run_scoped3A : memref<!tpu.dma_semaphore, #tpu.memory_space<semaphore_mem>>)
      %dma_wait3A_11 = arith.constant 0 : i32
      %dma_wait3A_12 = tpu.memref_slice %arg4[%mul3A_2, %dma_wait3A_11] : memref<16384x64xf32, #tpu.memory_space<hbm>> -> memref<512x64xf32, #tpu.memory_space<hbm>>
      %dma_wait3A_13 = arith.constant 0 : i32
      %dma_wait3A_14 = tpu.memref_slice %arg4[%mul3A_2, %dma_wait3A_13] : memref<16384x64xf32, #tpu.memory_space<hbm>> -> memref<512x64xf32, #tpu.memory_space<hbm>>
      tpu.wait_dma2 semaphore(%run_scoped3A : memref<!tpu.dma_semaphore, #tpu.memory_space<semaphore_mem>>) src(%arg6 : memref<512x64xf32, #tpu.memory_space<vmem>>) dst(%dma_wait3A_14 : memref<512x64xf32, #tpu.memory_space<hbm>>)
      tpu.yield
    }) : () -> ()
    return
  }
}

module attributes {stable_mosaic.version = 14 : i64} {
  func.func @_think_argmin_body(%arg0: i32, %arg1: memref<1024x64xf32, #tpu.memory_space<vmem>>, %arg2: memref<1x64xf32, #tpu.memory_space<vmem>>, %arg3: memref<128x64xf32, #tpu.memory_space<vmem>>, %arg4: memref<1x128xf32, #tpu.memory_space<vmem>>, %arg5: memref<64x128xf32, #tpu.memory_space<vmem>>, %arg6: memref<1x64xf32, #tpu.memory_space<vmem>>, %arg7: memref<1x1xf32, #tpu.memory_space<vmem>>, %arg8: memref<8192x64xf32, #tpu.memory_space<vmem>>, %arg9: memref<1024x64xf32, #tpu.memory_space<vmem>>, %arg10: memref<1x1x1024xi32, #tpu.memory_space<vmem>>, %arg11: memref<8192x128xbf16, #tpu.memory_space<vmem>>) attributes {dimension_semantics = [#tpu.dimension_semantics<arbitrary>], iteration_bounds = array<i64: 16>, scalar_prefetch = 0 : i64, scratch_operands = 1 : i64, tpu.core_type = #tpu.core_type<tc>, window_params = [{transform_indices = @transform_0, window_bounds = array<i64: 1024, 64>}, {pipeline_mode = #tpu.pipeline_mode<synchronous>, transform_indices = @transform_1, window_bounds = array<i64: 1, 64>}, {pipeline_mode = #tpu.pipeline_mode<synchronous>, transform_indices = @transform_2, window_bounds = array<i64: 128, 64>}, {pipeline_mode = #tpu.pipeline_mode<synchronous>, transform_indices = @transform_3, window_bounds = array<i64: 1, 128>}, {pipeline_mode = #tpu.pipeline_mode<synchronous>, transform_indices = @transform_4, window_bounds = array<i64: 64, 128>}, {pipeline_mode = #tpu.pipeline_mode<synchronous>, transform_indices = @transform_5, window_bounds = array<i64: 1, 64>}, {pipeline_mode = #tpu.pipeline_mode<synchronous>, transform_indices = @transform_6, window_bounds = array<i64: 1, 1>}, {pipeline_mode = #tpu.pipeline_mode<synchronous>, transform_indices = @transform_7, window_bounds = array<i64: 8192, 64>}, {transform_indices = @transform_8, window_bounds = array<i64: 1024, 64>}, {transform_indices = @transform_9, window_bounds = array<i64: 1, 1, 1024>}]} {
    %eq3A = arith.constant 0 : i32
    %eq3A_0 = arith.cmpi eq, %arg0, %eq3A : i32
    %convert_element_type3A = arith.extui %eq3A_0 : i1 to i32
    %cond3A = arith.constant 0 : i32
    %cond3A_1 = arith.cmpi ne, %convert_element_type3A, %cond3A : i32
    scf.if %cond3A_1 {
      %get3A_56 = arith.constant 0 : index
      %get3A_57 = arith.constant 0 : index
      %get3A_58 = vector.load %arg8[%get3A_56, %get3A_57] : memref<8192x64xf32, #tpu.memory_space<vmem>>, vector<8192x64xf32>
      %convert_element_type3A_59 = arith.truncf %get3A_58 : vector<8192x64xf32> to vector<8192x64xbf16>
      %convert_element_type3A_60 = arith.extf %convert_element_type3A_59 : vector<8192x64xbf16> to vector<8192x64xf32>
      %convert_element_type3A_61 = arith.extf %convert_element_type3A_59 : vector<8192x64xbf16> to vector<8192x64xf32>
      %mul3A_62 = arith.mulf %convert_element_type3A_60, %convert_element_type3A_61 : vector<8192x64xf32>
      %reduce_sum3A = arith.constant dense<0.000000e+00> : vector<8192xf32>
      %reduce_sum3A_63 = vector.multi_reduction <add>, %mul3A_62, %reduce_sum3A [1] : vector<8192x64xf32> to vector<8192xf32>
      %broadcast_in_dim3A_64 = vector.shape_cast %reduce_sum3A_63 : vector<8192xf32> to vector<8192x1xf32>
      %mul3A_65 = arith.constant -2.000000e+00 : bf16
      %mul3A_66 = vector.broadcast %mul3A_65 : bf16 to vector<8192x64xbf16>
      %mul3A_67 = arith.mulf %convert_element_type3A_59, %mul3A_66 : vector<8192x64xbf16>
      %convert_element_type3A_68 = arith.truncf %broadcast_in_dim3A_64 : vector<8192x1xf32> to vector<8192x1xbf16>
      %broadcast_in_dim3A_69 = arith.constant 0.000000e+00 : bf16
      %broadcast_in_dim3A_70 = vector.broadcast %broadcast_in_dim3A_69 : bf16 to vector<8192x63xbf16>
      %concatenate3A_71 = tpu.concatenate %mul3A_67, %convert_element_type3A_68, %broadcast_in_dim3A_70 in 1 : vector<8192x64xbf16>, vector<8192x1xbf16>, vector<8192x63xbf16> -> vector<8192x128xbf16>
      %swap3A_72 = arith.constant 0 : index
      %swap3A_73 = arith.constant 0 : index
      %swap3A_74 = vector.load %arg11[%swap3A_72, %swap3A_73] : memref<8192x128xbf16, #tpu.memory_space<vmem>>, vector<8192x128xbf16>
      tpu.vector_store %arg11[%swap3A_72, %swap3A_73], %concatenate3A_71 {strides = array<i32>} : memref<8192x128xbf16, #tpu.memory_space<vmem>>, vector<8192x128xbf16>,
    } else {
    }
    %get3A = arith.constant 0 : index
    %get3A_2 = arith.constant 0 : index
    %get3A_3 = vector.load %arg1[%get3A, %get3A_2] : memref<1024x64xf32, #tpu.memory_space<vmem>>, vector<1024x64xf32>
    %get3A_4 = arith.constant 0 : index
    %get3A_5 = arith.constant 0 : index
    %get3A_6 = vector.load %arg2[%get3A_4, %get3A_5] : memref<1x64xf32, #tpu.memory_space<vmem>>, vector<1x64xf32>
    %add3A = vector.broadcast %get3A_6 : vector<1x64xf32> to vector<1024x64xf32>
    %add3A_7 = arith.addf %get3A_3, %add3A : vector<1024x64xf32>
    %get3A_8 = arith.constant 0 : index
    %get3A_9 = arith.constant 0 : index
    %get3A_10 = vector.load %arg3[%get3A_8, %get3A_9] : memref<128x64xf32, #tpu.memory_space<vmem>>, vector<128x64xf32>
    %dot_general3A = arith.constant dense<0.000000e+00> : vector<1024x128xf32>
    %dot_general3A_11 = tpu.matmul %add3A_7, %get3A_10, %dot_general3A {dimension_numbers = #tpu.dot_dimension_numbers<[1], [1], [0], [0], [0, 0, 1, 0], [], []>, transpose_lhs_hint = false} : vector<1024x64xf32>, vector<128x64xf32>, vector<1024x128xf32> -> vector<1024x128xf32>
    %get3A_12 = arith.constant 0 : index
    %get3A_13 = arith.constant 0 : index
    %get3A_14 = vector.load %arg4[%get3A_12, %get3A_13] : memref<1x128xf32, #tpu.memory_space<vmem>>, vector<1x128xf32>
    %add3A_15 = vector.broadcast %get3A_14 : vector<1x128xf32> to vector<1024x128xf32>
    %add3A_16 = arith.addf %dot_general3A_11, %add3A_15 : vector<1024x128xf32>
    %logistic3A = arith.negf %add3A_16 : vector<1024x128xf32>
    %logistic3A_17 = math.exp %logistic3A : vector<1024x128xf32>
    %logistic3A_18 = arith.constant 1.000000e+00 : f32
    %logistic3A_19 = vector.broadcast %logistic3A_18 : f32 to vector<1024x128xf32>
    %logistic3A_20 = arith.addf %logistic3A_19, %logistic3A_17 : vector<1024x128xf32>
    %logistic3A_21 = arith.divf %logistic3A_19, %logistic3A_20 : vector<1024x128xf32>
    %mul3A = arith.mulf %add3A_16, %logistic3A_21 : vector<1024x128xf32>
    %get3A_22 = arith.constant 0 : index
    %get3A_23 = arith.constant 0 : index
    %get3A_24 = vector.load %arg5[%get3A_22, %get3A_23] : memref<64x128xf32, #tpu.memory_space<vmem>>, vector<64x128xf32>
    %dot_general3A_25 = arith.constant dense<0.000000e+00> : vector<1024x64xf32>
    %dot_general3A_26 = tpu.matmul %mul3A, %get3A_24, %dot_general3A_25 {dimension_numbers = #tpu.dot_dimension_numbers<[1], [1], [0], [0], [0, 0, 1, 0], [], []>, transpose_lhs_hint = false} : vector<1024x128xf32>, vector<64x128xf32>, vector<1024x64xf32> -> vector<1024x64xf32>
    %get3A_27 = arith.constant 0 : index
    %get3A_28 = arith.constant 0 : index
    %get3A_29 = vector.load %arg6[%get3A_27, %get3A_28] : memref<1x64xf32, #tpu.memory_space<vmem>>, vector<1x64xf32>
    %add3A_30 = vector.broadcast %get3A_29 : vector<1x64xf32> to vector<1024x64xf32>
    %add3A_31 = arith.addf %dot_general3A_26, %add3A_30 : vector<1024x64xf32>
    %get3A_32 = arith.constant 0 : index
    %get3A_33 = arith.constant 0 : index
    %get3A_34 = vector.load %arg7[%get3A_32, %get3A_33] : memref<1x1xf32, #tpu.memory_space<vmem>>, vector<1x1xf32>
    %get3A_35 = vector.extract %get3A_34[0, 0] : f32 from vector<1x1xf32>
    %tanh3A = math.tanh %get3A_35 : f32
    %mul3A_36 = vector.broadcast %tanh3A : f32 to vector<1024x64xf32>
    %mul3A_37 = arith.mulf %add3A_31, %mul3A_36 : vector<1024x64xf32>
    %add3A_38 = arith.addf %add3A_7, %mul3A_37 : vector<1024x64xf32>
    %convert_element_type3A_39 = arith.truncf %add3A_38 : vector<1024x64xf32> to vector<1024x64xbf16>
    %broadcast_in_dim3A = arith.constant 1.000000e+00 : bf16
    %broadcast_in_dim3A_40 = vector.broadcast %broadcast_in_dim3A : bf16 to vector<1024x1xbf16>
    %broadcast_in_dim3A_41 = arith.constant 0.000000e+00 : bf16
    %broadcast_in_dim3A_42 = vector.broadcast %broadcast_in_dim3A_41 : bf16 to vector<1024x63xbf16>
    %concatenate3A = tpu.concatenate %convert_element_type3A_39, %broadcast_in_dim3A_40, %broadcast_in_dim3A_42 in 1 : vector<1024x64xbf16>, vector<1024x1xbf16>, vector<1024x63xbf16> -> vector<1024x128xbf16>
    %get3A_43 = arith.constant 0 : index
    %get3A_44 = arith.constant 0 : index
    %get3A_45 = vector.load %arg11[%get3A_43, %get3A_44] : memref<8192x128xbf16, #tpu.memory_space<vmem>>, vector<8192x128xbf16>
    %dot_general3A_46 = arith.constant dense<0.000000e+00> : vector<1024x8192xf32>
    %dot_general3A_47 = tpu.matmul %concatenate3A, %get3A_45, %dot_general3A_46 {dimension_numbers = #tpu.dot_dimension_numbers<[1], [1], [0], [0], [0, 0, 1, 0], [], []>, transpose_lhs_hint = false} : vector<1024x128xbf16>, vector<8192x128xbf16>, vector<1024x8192xf32> -> vector<1024x8192xf32>
    %argmin3A = tpu.reduce_index %dot_general3A_47 {axis = 1 : i32, kind = #tpu.reduction_kind<arg_min>} : vector<1024x8192xf32> -> vector<1024xi32>
    %swap3A = arith.constant 0 : index
    %swap3A_48 = arith.constant 0 : index
    %swap3A_49 = arith.constant 0 : index
    %swap3A_50 = vector.load %arg10[%swap3A, %swap3A_48, %swap3A_49] : memref<1x1x1024xi32, #tpu.memory_space<vmem>>, vector<1x1x1024xi32>
    %swap3A_51 = vector.shape_cast %swap3A_50 : vector<1x1x1024xi32> to vector<1024xi32>
    %swap3A_52 = vector.shape_cast %argmin3A : vector<1024xi32> to vector<1x1x1024xi32>
    tpu.vector_store %arg10[%swap3A, %swap3A_48, %swap3A_49], %swap3A_52 {strides = array<i32>} : memref<1x1x1024xi32, #tpu.memory_space<vmem>>, vector<1x1x1024xi32>,
    %swap3A_53 = arith.constant 0 : index
    %swap3A_54 = arith.constant 0 : index
    %swap3A_55 = vector.load %arg9[%swap3A_53, %swap3A_54] : memref<1024x64xf32, #tpu.memory_space<vmem>>, vector<1024x64xf32>
    tpu.vector_store %arg9[%swap3A_53, %swap3A_54], %add3A_38 {strides = array<i32>} : memref<1024x64xf32, #tpu.memory_space<vmem>>, vector<1024x64xf32>,
    return
  }
  func.func @transform_0(%arg0: i32) -> (i32, i32) {
    %c0_i32 = arith.constant 0 : i32
    %c0_i32_0 = arith.constant 0 : i32
    return %arg0, %c0_i32 : i32, i32
  }
  func.func @transform_1(%arg0: i32) -> (i32, i32) {
    %c0_i32 = arith.constant 0 : i32
    %c0_i32_0 = arith.constant 0 : i32
    %c0_i32_1 = arith.constant 0 : i32
    return %c0_i32, %c0_i32_0 : i32, i32
  }
  func.func @transform_2(%arg0: i32) -> (i32, i32) {
    %c0_i32 = arith.constant 0 : i32
    %c0_i32_0 = arith.constant 0 : i32
    %c0_i32_1 = arith.constant 0 : i32
    return %c0_i32, %c0_i32_0 : i32, i32
  }
  func.func @transform_3(%arg0: i32) -> (i32, i32) {
    %c0_i32 = arith.constant 0 : i32
    %c0_i32_0 = arith.constant 0 : i32
    %c0_i32_1 = arith.constant 0 : i32
    return %c0_i32, %c0_i32_0 : i32, i32
  }
  func.func @transform_4(%arg0: i32) -> (i32, i32) {
    %c0_i32 = arith.constant 0 : i32
    %c0_i32_0 = arith.constant 0 : i32
    %c0_i32_1 = arith.constant 0 : i32
    return %c0_i32, %c0_i32_0 : i32, i32
  }
  func.func @transform_5(%arg0: i32) -> (i32, i32) {
    %c0_i32 = arith.constant 0 : i32
    %c0_i32_0 = arith.constant 0 : i32
    %c0_i32_1 = arith.constant 0 : i32
    return %c0_i32, %c0_i32_0 : i32, i32
  }
  func.func @transform_6(%arg0: i32) -> (i32, i32) {
    %c0_i32 = arith.constant 0 : i32
    %c0_i32_0 = arith.constant 0 : i32
    %c0_i32_1 = arith.constant 0 : i32
    return %c0_i32, %c0_i32_0 : i32, i32
  }
  func.func @transform_7(%arg0: i32) -> (i32, i32) {
    %c0_i32 = arith.constant 0 : i32
    %c0_i32_0 = arith.constant 0 : i32
    %c0_i32_1 = arith.constant 0 : i32
    return %c0_i32, %c0_i32_0 : i32, i32
  }
  func.func @transform_8(%arg0: i32) -> (i32, i32) {
    %c0_i32 = arith.constant 0 : i32
    %c0_i32_0 = arith.constant 0 : i32
    return %arg0, %c0_i32 : i32, i32
  }
  func.func @transform_9(%arg0: i32) -> (i32, i32, i32) {
    %c0_i32 = arith.constant 0 : i32
    %c0_i32_0 = arith.constant 0 : i32
    %c0_i32_1 = arith.constant 0 : i32
    return %arg0, %c0_i32, %c0_i32_0 : i32, i32, i32
  }
}

module attributes {stable_mosaic.version = 14 : i64} {
  func.func @_finish_body(%arg0: i32, %arg1: memref<4096x64xf32, #tpu.memory_space<vmem>>, %arg2: memref<4096x64xf32, #tpu.memory_space<vmem>>, %arg3: memref<4096x64xf32, #tpu.memory_space<vmem>>) attributes {dimension_semantics = [#tpu.dimension_semantics<arbitrary>], iteration_bounds = array<i64: 4>, scalar_prefetch = 0 : i64, scratch_operands = 0 : i64, tpu.core_type = #tpu.core_type<tc>, window_params = [{transform_indices = @transform_0, window_bounds = array<i64: 4096, 64>}, {transform_indices = @transform_1, window_bounds = array<i64: 4096, 64>}, {transform_indices = @transform_2, window_bounds = array<i64: 4096, 64>}]} {
    %get3A = arith.constant 0 : index
    %get3A_0 = arith.constant 0 : index
    %get3A_1 = vector.load %arg1[%get3A, %get3A_0] : memref<4096x64xf32, #tpu.memory_space<vmem>>, vector<4096x64xf32>
    %get3A_2 = arith.constant 0 : index
    %get3A_3 = arith.constant 0 : index
    %get3A_4 = vector.load %arg2[%get3A_2, %get3A_3] : memref<4096x64xf32, #tpu.memory_space<vmem>>, vector<4096x64xf32>
    %mul3A = arith.constant 5.000000e-02 : f32
    %mul3A_5 = vector.broadcast %mul3A : f32 to vector<4096x64xf32>
    %mul3A_6 = arith.mulf %get3A_4, %mul3A_5 : vector<4096x64xf32>
    %add3A = arith.addf %get3A_1, %mul3A_6 : vector<4096x64xf32>
    %jit3A = arith.constant 0.000000e+00 : f32
    %jit3A_7 = arith.constant -1.000000e+00 : f32
    %jit3A_8 = arith.constant 1.000000e+00 : f32
    %ne3A = arith.cmpf one, %add3A, %add3A : vector<4096x64xf32>
    %broadcast_in_dim3A = vector.broadcast %jit3A : f32 to vector<4096x64xf32>
    %select_n3A = arith.select %ne3A, %broadcast_in_dim3A, %add3A : vector<4096x64xi1>, vector<4096x64xf32>
    %eq3A = arith.constant 0x7F800000 : f32
    %eq3A_9 = vector.broadcast %eq3A : f32 to vector<4096x64xf32>
    %eq3A_10 = arith.cmpf oeq, %select_n3A, %eq3A_9 : vector<4096x64xf32>
    %broadcast_in_dim3A_11 = vector.broadcast %jit3A_8 : f32 to vector<4096x64xf32>
    %select_n3A_12 = arith.select %eq3A_10, %broadcast_in_dim3A_11, %select_n3A : vector<4096x64xi1>, vector<4096x64xf32>
    %eq3A_13 = arith.constant 0xFF800000 : f32
    %eq3A_14 = vector.broadcast %eq3A_13 : f32 to vector<4096x64xf32>
    %eq3A_15 = arith.cmpf oeq, %select_n3A_12, %eq3A_14 : vector<4096x64xf32>
    %broadcast_in_dim3A_16 = vector.broadcast %jit3A_7 : f32 to vector<4096x64xf32>
    %select_n3A_17 = arith.select %eq3A_15, %broadcast_in_dim3A_16, %select_n3A_12 : vector<4096x64xi1>, vector<4096x64xf32>
    %mul3A_18 = arith.mulf %select_n3A_17, %select_n3A_17 : vector<4096x64xf32>
    %reduce_sum3A = arith.constant dense<0.000000e+00> : vector<4096xf32>
    %reduce_sum3A_19 = vector.multi_reduction <add>, %mul3A_18, %reduce_sum3A [1] : vector<4096x64xf32> to vector<4096xf32>
    %broadcast_in_dim3A_20 = vector.shape_cast %reduce_sum3A_19 : vector<4096xf32> to vector<4096x1xf32>
    %gt3A = arith.constant 1.000000e+02 : f32
    %gt3A_21 = vector.broadcast %gt3A : f32 to vector<4096x1xf32>
    %gt3A_22 = arith.cmpf ogt, %broadcast_in_dim3A_20, %gt3A_21 : vector<4096x1xf32>
    %rsqrt3A = math.rsqrt %broadcast_in_dim3A_20 : vector<4096x1xf32>
    %mul3A_23 = arith.constant 1.000000e+01 : f32
    %mul3A_24 = vector.broadcast %mul3A_23 : f32 to vector<4096x1xf32>
    %mul3A_25 = arith.mulf %mul3A_24, %rsqrt3A : vector<4096x1xf32>
    %jit3A_26 = arith.constant 1.000000e+00 : f32
    %broadcast_in_dim3A_27 = vector.broadcast %jit3A_26 : f32 to vector<4096x1xf32>
    %select_n3A_28 = arith.select %gt3A_22, %mul3A_25, %broadcast_in_dim3A_27 : vector<4096x1xi1>, vector<4096x1xf32>
    %mul3A_29 = vector.broadcast %select_n3A_28 : vector<4096x1xf32> to vector<4096x64xf32>
    %mul3A_30 = arith.mulf %select_n3A_17, %mul3A_29 : vector<4096x64xf32>
    %swap3A = arith.constant 0 : index
    %swap3A_31 = arith.constant 0 : index
    %swap3A_32 = vector.load %arg3[%swap3A, %swap3A_31] : memref<4096x64xf32, #tpu.memory_space<vmem>>, vector<4096x64xf32>
    tpu.vector_store %arg3[%swap3A, %swap3A_31], %mul3A_30 {strides = array<i32>} : memref<4096x64xf32, #tpu.memory_space<vmem>>, vector<4096x64xf32>,
    return
  }
  func.func @transform_0(%arg0: i32) -> (i32, i32) {
    %c0_i32 = arith.constant 0 : i32
    %c0_i32_0 = arith.constant 0 : i32
    return %arg0, %c0_i32 : i32, i32
  }
  func.func @transform_1(%arg0: i32) -> (i32, i32) {
    %c0_i32 = arith.constant 0 : i32
    %c0_i32_0 = arith.constant 0 : i32
    return %arg0, %c0_i32 : i32, i32
  }
  func.func @transform_2(%arg0: i32) -> (i32, i32) {
    %c0_i32 = arith.constant 0 : i32
    %c0_i32_0 = arith.constant 0 : i32
    return %arg0, %c0_i32 : i32, i32
  }
}

</mosaic_0001>

<sc_bundles>
// kernel: kernel.5.cloned.1.call-start
scs
__scs_entry_jumppad:
0x0: {  	(pc) =	sbr.rel $0x88, $3  }
0x1: {  	(tag) =	ssettag $0x0;
	lr =	simm.s32 $0x1  }
0x2: {  	[smem:$0x3F99] =	sst lr;
	_ =	strace $0xD0000000  }
0x3: {  	_ = 	snop  }
0x4: {  	_ = 	snop  }
0x5: {  	_ = 	snop  }
0x6: {  	_ = 	snop  }
0x7: {  	_ = 	snop  }
__scs_overlays_trampoline_lowered:
0x8: {  	[smem:$0x3FA8] =	sst s0  }
0x9: {  	[smem:$0x3FA9] =	sst s1  }
0xa: {  	[smem:$0x3FAA] =	sst s2  }
0xb: {  	[smem:$0x3FAB] =	sst s3  }
0xc: {  	[smem:$0x3FAC] =	sst s4  }
0xd: {  	[smem:$0x3FAD] =	sst s5  }
0xe: {  	[smem:$0x3FAE] =	sst s6  }
0xf: {  	[smem:$0x3FAF] =	sst s7  }
0x10: {  	[smem:$0x3FB0] =	sst s8  }
0x11: {  	[smem:$0x3FB1] =	sst s9;
	s0 =	simm.s32 @!p0 $0x0  }
0x12: {  	s1 =	sld [smem:$0x3F97];
	s0 =	simm.s32 @p0 $0x1  }
0x13: {  	[smem:$0x3FB2] =	sst s0;
	s0 =	simm.s32 @!p1 $0x0  }
0x14: {  	s2 =	sld [smem:$0x3F96];
	s0 =	simm.s32 @p1 $0x1  }
0x15: {  	[smem:$0x3FB3] =	sst s0;
	s0 =	simm.s32 @!p2 $0x0  }
0x16: {  	s3 =	sld [smem:$0x3FDB];
	s0 =	simm.s32 @p2 $0x1  }
0x17: {  	s4 =	simm.s32 $0x1BF5;
	[smem:$0x3FB5] =	sst s0  }
0x18: {  	s0 =	sld [smem:$0x3F98];
	_ =	swait.ge [sflag:s4], $0x0  }
0x19: {  	s7 =	sld [smem:$0x3F99]  }
0x1a: {  	s8 =	sadd.s32 $0xFFFFE003, lr  }
0x1b: {  	s9 =	sadd.s32 $0xFFFFFEF7, lr;
	s5 =	simm.s32 $0xFFFFFFFF;
	p2 =	slt.u32 s8, $0xFFFFF086  }
0x1c: {  	p1 =	slt.u32 s9, $0xF7A;
	s5 =	simm.s32 @!p2 $0x0  }
0x1d: {  	s5 =	simm.s32 @p1 $0x1;
	p0 =	seq.s32 s7, s2  }
0x1e: {  	s7 =	smul.u32 @!p0 $0xF7A, s2;
	p2 =	seq.s32 @!p0 s5, $0x0  }
0x1f: {  	s9 =	smul.u32 $0xF7A, s1;
	s8 =	simm.s32 @!p0 $0x1BF5;
	p2 =	por !p2, p0  }
0x20: {  	[sflag:s8] =	ssyncset.s32 @!p0 $0xFFFFF086;
	s6 =	sadd.s32 @!p0 s3, s7;
	s7 =	simm.s32 @!p0 $0x108  }
0x21: {  	s3 =	sadd.s32 s3, s9;
	s6 =	sadd.s32 @!p0 $0x88, s6;
	s7 =	simm.s32 @p2 $0x1082  }
0x22: {  	[simem:s7], [sflag:s8] =	dma.local @!p0 [hbm:s6], $0xF7A  }
0x23: {  	s9 =	sor.u32 $0xD0000000, s2;
	s6 =	simm.s32 $0x108;
	_ =	swait.ge @!p0 [sflag:s8], $0x0  }
0x24: {  	s3 =	sadd.s32 $0x88, s3;
	s6 =	simm.s32 @!p1 $0x1082;
	[sflag:s4] =	ssyncset.s32 $0xFFFFF086  }
0x25: {  	[simem:s6], [sflag:s4] =	dma.local [hbm:s3], $0xF7A  }
0x26: {  	[smem:$0x3F99] =	sst s1;
	(tag) =	ssettag s2;
	_ =	strace s9  }
0x27: {  	s1 =	sld [smem:$0x3FA9]  }
0x28: {  	s2 =	sld [smem:$0x3FAA]  }
0x29: {  	s4 =	sld [smem:$0x3FAC]  }
0x2a: {  	p0 =	seq.s32 s5, $0x0;
	s5 =	sld [smem:$0x3FAD]  }
0x2b: {  	s6 =	sld [smem:$0x3FAE]  }
0x2c: {  	s7 =	sld [smem:$0x3FAF]  }
0x2d: {  	s3 =	simm.s32 $0x108;
	s8 =	sld [smem:$0x3FB0]  }
0x2e: {  	s3 =	simm.s32 @!p0 $0x1082;
	s9 =	sld [smem:$0x3FB1]  }
0x2f: {  	lr =	sadd.s32 s0, s3;
	s0 =	sld [smem:$0x3FA8]  }
0x30: {  	s3 =	sld [smem:$0x3FAB]  }
0x31: {  	[smem:$0x3FB4] =	sst s10  }
0x32: {  	s10 =	sld [smem:$0x3FB2];
	_ =	sdelay $0x3  }
0x33: {  	p0 =	seq.s32 s10, $0x1;
	s10 =	sld [smem:$0x3FB4];
	_ =	sdelay $0x3  }
0x34: {  	[smem:$0x3FB4] =	sst s10  }
0x35: {  	s10 =	sld [smem:$0x3FB3];
	_ =	sdelay $0x3  }
0x36: {  	p1 =	seq.s32 s10, $0x1;
	s10 =	sld [smem:$0x3FB4];
	_ =	sdelay $0x3  }
0x37: {  	[smem:$0x3FB4] =	sst s10  }
0x38: {  	s10 =	sld [smem:$0x3FB5]  }
0x39: {  	_ = 	snop;
	(pc) =	sbr.ind lr, $3  }
0x3a: {  	_ = 	snop  }
0x3b: {  	_ = 	snop  }
0x3c: {  	p2 =	seq.s32 s10, $0x1;
	s10 =	sld [smem:$0x3FB4]  }
0x3d: {  	_ =	shalt  }
0x3e: {  	_ =	shalt  }
0x3f: {  	_ =	shalt  }
0x40: {  	_ =	shalt  }
0x41: {  	_ =	shalt  }
0x42: {  	_ =	shalt  }
0x43: {  	_ =	shalt  }
0x44: {  	_ =	shalt  }
0x45: {  	_ =	shalt  }
0x46: {  	_ =	shalt  }
0x47: {  	_ =	shalt  }
0x48: {  	_ =	shalt  }
0x49: {  	_ =	shalt  }
0x4a: {  	_ =	shalt  }
0x4b: {  	_ =	shalt  }
0x4c: {  	_ =	shalt  }
0x4d: {  	_ =	shalt  }
0x4e: {  	_ =	shalt  }
0x4f: {  	_ =	shalt  }
0x50: {  	_ =	shalt  }
0x51: {  	_ =	shalt  }
0x52: {  	_ =	shalt  }
0x53: {  	_ =	shalt  }
0x54: {  	_ =	shalt  }
0x55: {  	_ =	shalt  }
0x56: {  	_ =	shalt  }
0x57: {  	_ =	shalt  }
0x58: {  	_ =	shalt  }
0x59: {  	_ =	shalt  }
0x5a: {  	_ =	shalt  }
0x5b: {  	_ =	shalt  }
0x5c: {  	_ =	shalt  }
0x5d: {  	_ =	shalt  }
0x5e: {  	_ =	shalt  }
0x5f: {  	_ =	shalt  }
0x60: {  	_ =	shalt  }
0x61: {  	_ =	shalt  }
0x62: {  	_ =	shalt  }
0x63: {  	_ =	shalt  }
0x64: {  	_ =	shalt  }
0x65: {  	_ =	shalt  }
0x66: {  	_ =	shalt  }
0x67: {  	_ =	shalt  }
0x68: {  	_ =	shalt  }
0x69: {  	_ =	shalt  }
0x6a: {  	_ =	shalt  }
0x6b: {  	_ =	shalt  }
0x6c: {  	_ =	shalt  }
0x6d: {  	_ =	shalt  }
0x6e: {  	_ =	shalt  }
0x6f: {  	_ =	shalt  }
0x70: {  	_ =	shalt  }
0x71: {  	_ =	shalt  }
0x72: {  	_ =	shalt  }
0x73: {  	_ =	shalt  }
0x74: {  	_ =	shalt  }
0x75: {  	_ =	shalt  }
0x76: {  	_ =	shalt  }
0x77: {  	_ =	shalt  }
0x78: {  	_ =	shalt  }
0x79: {  	_ =	shalt  }
0x7a: {  	_ =	shalt  }
0x7b: {  	_ =	shalt  }
0x7c: {  	_ =	shalt  }
0x7d: {  	_ =	shalt  }
0x7e: {  	_ =	shalt  }
0x7f: {  	_ =	shalt  }
0x80: {  	_ =	shalt  }
0x81: {  	_ =	shalt  }
0x82: {  	_ =	shalt  }
0x83: {  	_ =	shalt  }
0x84: {  	_ =	shalt  }
0x85: {  	_ =	shalt  }
0x86: {  	_ =	shalt  }
0x87: {  	_ =	shalt  }
.Lfunc_end0:
.L_simem_size_0:
called_computation_lowered:
.L_overlay_start_0:
0x88: {  	s2 =	sld [smem:$0x3FD9]  }
0x89: {  	s3 =	sld [smem:$0x3FFE];
	_ =	sdelay $0x1  }
0x8a: {  	s1 =	srdreg.scid  }
0x8b: {  	s0 =	sand.u32 $0x1, s1  }
0x8c: {  	s17 =	sshll.u32 s0, $0xA;
	s2 =	sadd.s32 s3, s2  }
0x8d: {  	s2 =	sadd.s32 s2, s17  }
0x8e: {  	[smem:$0x3FC0] =	sst s2  }
0x8f: {  	_ = 	snop  }
0x90: {  	s2 =	sld [smem:$0x3FD0];
	(tm) =	ssettm $0x1  }
0x91: {  	s18 =	sld [smem:$0x3FFB];
	_ =	sdelay $0x3  }
0x92: {  	_ =	strace s18  }
0x93: {  	s3 =	sld [smem:$0x3FFC];
	_ =	sdelay $0x3  }
0x94: {  	_ =	strace s3  }
0x95: {  	s3 =	sld [smem:$0x3FFD];
	_ =	sdelay $0x3  }
0x96: {  	_ =	strace s3  }
0x97: {  	_ =	strace $0x8FFFFFFF  }
0x98: {  	s19 =	sld [smem:$0x3FDB];
	_ =	sdelay $0x1  }
0x99: {  	s4 =	simm.s32 $_scs_section_size  }
0x9a: {  	s5 =	simm.s32 $_size__tile_overlayer_lowered;
	s6 =	simm.s32 $_tile_overlayer_lowered  }
0x9b: {  	s22 =	simm.s32 $0x1BFF;
	s21 =	sshll.u32 s6, $0x1;
	s3 =	sadd.s32 s4, s19  }
0x9c: {  	s7 =	simm.s32 $0x0;
	s20 =	sshll.u32 s5, $0x1;
	s5 =	sadd.s32 s21, s3  }
0x9d: {  	[timem:s7], [sflag:s22] =	dma.local [hbm:s5], s20  }
0x9e: {  	_ =	swait.ge [sflag:s22], s20  }
0x9f: {  	s4 =	ssub.s32 $0x0, s20;
	[sflag:s22] =	ssyncset.done $0x0  }
0xa0: {  	[sflag:s22] =	ssyncadd.s32 s4;
	_ =	sdelay $0x1  }
0xa1: {  	s23 =	simm.s32 $0x1B8B  }
0xa2: {  	_ =	swait.ge [sflag:s23], $0x1  }
0xa3: {  	[sflag:s23] =	ssyncset.done $0x0  }
0xa4: {  	s25 =	simm.s32 $0x1B8E;
	s24 =	sld [smem:$0x3FFE];
	[sflag:s23] =	ssyncadd.s32 $0xFFFFFFFF  }
0xa5: {  	s26 =	simm.s32 $execute0_lowered;
	[smem:$0x3FD2] =	sst s25  }
0xa6: {  	s5 =	sshll.u32 s26, $0x1;
	_ =	strace $0x80000046;
	[dreg:$0x1] =	wrdreg $0xFFFFFFFF  }
0xa7: {  	s28 =	simm.s32 $_size_execute0_lowered;
	s3 =	sadd.s32 s3, s5;
	[dreg:$0x0] =	wrdreg $0x0  }
0xa8: {  	s5 =	sshll.u32 s28, $0x1;
	[dreg:$0x2] =	wrdreg s3  }
0xa9: {  	[dreg:$0x3] =	wrdreg s5  }
0xaa: {  	[dreg:$0x4] =	wrdreg $0xC0  }
0xab: {  	_ =	task [dreg:s7], $0x5FFFF  }
0xac: {  	[dreg:$0x1] =	wrdreg $0xFFFFFFFF  }
0xad: {  	[dreg:$0x0] =	wrdreg $0x60  }
0xae: {  	[dreg:$0x2] =	wrdreg s24  }
0xaf: {  	[dreg:$0x3] =	wrdreg s2  }
0xb0: {  	[dreg:$0x4] =	wrdreg $0x9  }
0xb1: {  	_ =	task.clear_ibuf [dreg:s7], $0x5FFFF;
	_ =	strace $0x90000046  }
0xb2: {  	s29 =	simm.s32 $0x9;
	_ =	strace $0x80000048  }
0xb3: {  	_ =	swait.ge [sflag:s29], $0x1  }
0xb4: {  	[sflag:s29] =	ssyncadd.s32 $0xFFFFFFFF  }
0xb5: {  	_ =	strace $0x90000048  }
0xb6: {  	_ =	sfence  }
0xb7: {  	s30 =	sld [smem:$0x0];
	_ =	sdelay $0x2  }
0xb8: {  	s31 =	sshll.u32 s1, $0xD;
	s1 =	sshrl.u32 s1, $0x2  }
0xb9: {  	s3 =	sand.u32 $0x4000, s31;
	s1 =	sadd.s32 s1, s30  }
0xba: {  	s0 =	sor.u32 s3, s0;
	s1 =	sshll.u32 s1, $0x11  }
0xbb: {  	s0 =	sor.u32 s1, s0  }
0xbc: {  	s0 =	sadd.s32 $0x8F2B, s0  }
0xbd: {  	[sflag:s0] =	ssyncadd.remote.s32 $0x1  }
0xbe: {  	_ =	sfence.sel $0xFFFF  }
0xbf: {  	[dreg:$0x0] =	wrdreg $0xFFFFFFFF;
	(pc) =	sbr.abs _section_cstart, $3  }
0xc0: {  	[dreg:$0x1] =	wrdreg $0xFFFFFFFF  }
0xc1: {  	_ =	task.clear_ibuf [dreg:s7], $0x2FFFF;
	_ =	strace $0x9FFFFFFF  }
0xc2: {  	(tm) =	ssettm $0x7FFFFFFF  }
0xc3: {  	_ =	shalt  }
tec
execute0_lowered:
.L_overlay_start_1:
0x0: {  	(tag) =	ssettag $0x1  }
0x1: {  	s1 =	srdreg.scid  }
0x2: {  	s0 =	stileid.u32;
	s6 =	sand.u32 $0x1, s1  }
0x3: {  	s5 =	rddreg [dreg:$0x0];
	s30 =	sshll.u32 s0, $0xA;
	s2 =	sshll.u32 s6, $0x9  }
0x4: {  	s8 =	rddreg [dreg:$0x1];
	s9 =	sor.u32 s2, s30  }
0x5: {  	s1 =	rddreg [dreg:$0x2];
	s2 =	simm.s32 $0x0;
	s3 =	sshrl.u32 s9, $0x3  }
0x6: {  	s10 =	ssub.s32 $0x2, s6;
	[smem:$0x7FF] =	sst s2;
	s3 =	sadd.s32 s3, s5  }
0x7: {  	_ =	strace $0x80000047;
	s4 =	sadd.s32 $0x11600, s3;
	s3 =	simm.s32 $0x2  }
0x8: {  	[tilespmem:s2], [sflag:$0x2] =	stream.linear.gather [hbm4b:s4+s2], $0x200, $0x38;
	[tilespmem:$0x8200] =	vst v63  }
0x9: {  	s7 =	simm.s32 $0x1;
	s11 =	sshrl.u32 s10, $0x1;
	_ =	swait.ge [sflag:s3], $0x200  }
0xa: {  	s6 =	simm.s32 $0x200;
	s10 =	ssub.s32 s10, s11;
	[sflag:s3] =	ssyncset.done $0x0  }
0xb: {  	s5 =	sadd.s32 $0x1600, s5;
	s31 =	smax.u32 s10, $0x1;
	[sflag:s3] =	ssyncadd.s32 $0xFFFFFE00  }
0xc: {  	[tilespmem:s6], [sflag:$0x1] =	stream.indirect.gather [hbm4b:s5+s6], $0x40, s2, s6, $0xb8;
	[tilespmem:$0x8200] =	vst v63  }
0xd: {  	p0 =	sne.s32 s31, $0x1;
	_ =	swait.ge [sflag:s7], $0x8000  }
.Ltmp0:
0xe: {  	s9 =	sshll.u32 s9, $0x3;
	[sflag:s7] =	ssyncset.done $0x0;
	(pc) =	sbr.rel @!p0 .LBB2_2-.Ltmp0, $4  }
0xf: {  	s8 =	sadd.s32 s8, s9;
	[sflag:s7] =	ssyncadd.s32 $0xFFFF8000  }
0x10: {  	[hbm4b:s8+s2] =	stream.linear.scatter [tilespmem:s6], [sflag:$0x2], $0x8000, $0x38;
	[tilespmem:$0x8200] =	vst v63  }
0x11: {  	_ =	swait.ge [sflag:s3], $0x8000  }
0x12: {  	s9 =	sadd.s32 $0xFFFFFFFF, s31;
	[sflag:s3] =	ssyncset.done $0x0  }
.LBB2_1:
0x13: {  	p0 =	sne.s32 s9, $0x1;
	s9 =	sadd.s32 $0xFFFFFFFF, s9;
	[sflag:s3] =	ssyncadd.s32 $0xFFFF8000  }
0x14: {  	[tilespmem:s2], [sflag:$0x2] =	stream.linear.gather [hbm4b:s4+s2], $0x200, $0x38;
	[tilespmem:$0x8200] =	vst v63  }
0x15: {  	_ =	swait.ge [sflag:s3], $0x200  }
0x16: {  	[sflag:s3] =	ssyncset.done $0x0  }
0x17: {  	[sflag:s3] =	ssyncadd.s32 $0xFFFFFE00  }
0x18: {  	[tilespmem:s6], [sflag:$0x1] =	stream.indirect.gather [hbm4b:s5+s6], $0x40, s2, s6, $0xb8;
	[tilespmem:$0x8200] =	vst v63  }
0x19: {  	_ =	swait.ge [sflag:s7], $0x8000  }
.Ltmp1:
0x1a: {  	[sflag:s7] =	ssyncset.done $0x0;
	(pc) =	sbr.rel @p0 .LBB2_1-.Ltmp1, $4  }
0x1b: {  	[sflag:s7] =	ssyncadd.s32 $0xFFFF8000  }
0x1c: {  	[hbm4b:s8+s2] =	stream.linear.scatter [tilespmem:s6], [sflag:$0x2], $0x8000, $0x38;
	[tilespmem:$0x8200] =	vst v63  }
0x1d: {  	_ =	swait.ge [sflag:s3], $0x8000  }
0x1e: {  	[sflag:s3] =	ssyncset.done $0x0  }
.LBB2_2:
0x1f: {  	[sflag:s3] =	ssyncadd.s32 $0xFFFF8000  }
0x20: {  	_ =	sfence.sel $0x180000  }
0x21: {  	[bflag:$0x0] =	sbarrier.arrive $0xFFFF  }
0x22: {  	p0 =	sne.s32 s0, $0x0;
	_ =	strace $0x90000047  }
0x23: {  	s0 =	sadd.s32 @!p0 $0x100000, s1;
	[bflag:$0x2] =	sbarrier.arrive $0xFFFF  }
0x24: {  	[sflag:s0] =	ssyncadd.tile.s32 @!p0 $0x1;
	_ =	shalt  }
.Lfunc_end2:
_tile_overlayer_lowered:
.L_overlay_start_2:
0x25: {  	(tag) =	ssettag $0x2  }
0x26: {  	s0 =	rddreg [dreg:$0x0];
	s2 =	stileid.u32  }
0x27: {  	s1 =	rddreg [dreg:$0x1];
	p0 =	sne.s32 s2, $0x0  }
0x28: {  	s3 =	rddreg [dreg:$0x2];
	[bflag:$0x3] =	sbarrier.arrive $0xFFFF;
	s2 =	simm.s32 @!p0 $0x1C02  }
0x29: {  	[timem:s3], [sflag:s2] =	dma.local @!p0 [hbm:s0], s1  }
0x2a: {  	s0 =	simm.s32 @!p0 $0x2  }
0x2b: {  	_ =	swait.ge @!p0 [sflag:s0], s1  }
0x2c: {  	s1 =	ssub.s32 @!p0 $0x0, s1;
	[sflag:s0] =	ssyncset.done @!p0 $0x0  }
0x2d: {  	[sflag:s0] =	ssyncadd.s32 @!p0 s1  }
0x2e: {  	[bflag:$0x3] =	sbarrier.arrive $0xFFFF  }
0x2f: {  	_ =	shalt  }

</sc_bundles>
